<compile_context>
chip_gen: v7x
topology: tpu7x:2x2x1
jax: 0.10.2.dev20260603
libtpu: 0.0.44.dev20260713+nightly
codegen_flags: <defaults>
</compile_context>

<pallas_src>
import functools

import jax
import jax.numpy as jnp
from jax import lax
from jax.experimental import pallas as pl
from jax.experimental.pallas import tpu as pltpu
from jax.experimental.pallas import tpu_sc as plsc

N = 100000
D = 128
H = 64
B = 512

R = 13312
NB = -(-(N // 8) // (R // 8))
NW = 32
CHUNK = N // NW
CHUNK16 = ((CHUNK + 15) // 16) * 16


def _mlp_body(x_ref, ids_ref, w1_ref, b1_ref, w2_ref, b2_ref, oe_ref, oi_ref):
    x = x_ref[...]
    h = jnp.dot(x, w1_ref[...], preferred_element_type=jnp.float32)
    h = h + b1_ref[...]
    h = h * jax.nn.sigmoid(h)
    e = jnp.dot(h, w2_ref[...], preferred_element_type=jnp.float32)
    oe_ref[...] = jnp.transpose((e + b2_ref[...]).reshape(R // 8, 8))
    oi_ref[...] = jnp.transpose(ids_ref[...])


_mlp = pl.pallas_call(
    _mlp_body,
    grid=(NB,),
    in_specs=[
        pl.BlockSpec((R, D), lambda i: (i, 0)),
        pl.BlockSpec((R // 8, 8), lambda i: (i, 0)),
        pl.BlockSpec((D, H), lambda i: (0, 0)),
        pl.BlockSpec((1, H), lambda i: (0, 0)),
        pl.BlockSpec((H, 1), lambda i: (0, 0)),
        pl.BlockSpec((1, 1), lambda i: (0, 0)),
    ],
    out_specs=[
        pl.BlockSpec((8, R // 8), lambda i: (0, i)),
        pl.BlockSpec((8, R // 8), lambda i: (0, i)),
    ],
    out_shape=[
        jax.ShapeDtypeStruct((8, N // 8), jnp.float32),
        jax.ShapeDtypeStruct((8, N // 8), jnp.int32),
    ],
)

_mesh = plsc.VectorSubcoreMesh(core_axis_name="c", subcore_axis_name="s")


@functools.partial(
    pl.kernel,
    out_type=(
        jax.ShapeDtypeStruct((2, B), jnp.float32),
        jax.ShapeDtypeStruct((2, B), jnp.float32),
    ),
    mesh=_mesh,
    scratch_types=[
        pltpu.VMEM((CHUNK,), jnp.float32),
        pltpu.VMEM((CHUNK,), jnp.int32),
        pltpu.VMEM((CHUNK16,), jnp.float32),
        pltpu.VMEM((B,), jnp.float32),
        pltpu.VMEM_SHARED((B,), jnp.float32),
        pltpu.VMEM_SHARED((B,), jnp.float32),
    ],
)
def _sc_segsum(e_hbm, idx_hbm, out_e, out_c,
               e_v, idx_v, ones_v, zeros_v, acc_e, acc_c):
    cid = lax.axis_index("c")
    sid = lax.axis_index("s")
    wid = cid * 16 + sid

    pltpu.sync_copy(e_hbm.at[wid], e_v)
    pltpu.sync_copy(idx_hbm.at[wid], idx_v)

    def fill_ones(i, _):
        for u in range(4):
            ones_v[pl.ds(i * 64 + u * 16, 16)] = jnp.ones((16,), jnp.float32)
        return 0
    lax.fori_loop(0, CHUNK16 // 64, fill_ones, 0)

    @pl.when(sid == 0)
    def _():
        def fill_zeros(i, _):
            for u in range(4):
                zeros_v[pl.ds(i * 64 + u * 16, 16)] = jnp.zeros((16,), jnp.float32)
            return 0
        lax.fori_loop(0, B // 64, fill_zeros, 0)
        pltpu.sync_copy(zeros_v, acc_e)
        pltpu.sync_copy(zeros_v, acc_c)

    plsc.subcore_barrier()
    pltpu.sync_copy(e_v, acc_e.at[idx_v], add=True)
    pltpu.sync_copy(ones_v.at[pl.ds(0, CHUNK)], acc_c.at[idx_v], add=True)
    plsc.subcore_barrier()

    @pl.when(sid == 0)
    def _():
        pltpu.sync_copy(acc_e, out_e.at[cid])
        pltpu.sync_copy(acc_c, out_c.at[cid])


def kernel(node_feats, pos, batch, W1, b1, W2, b2):
    batch2d = batch.astype(jnp.int32).reshape(N // 8, 8)
    e8, idx8 = _mlp(node_feats, batch2d, W1, b1.reshape(1, H), W2,
                    b2.reshape(1, 1))
    e32 = e8.reshape(NW, CHUNK)
    idx32 = idx8.reshape(NW, CHUNK)
    out_e, out_c = _sc_segsum(e32, idx32)

    energy = out_e[0] + out_e[1]
    num_atoms = out_c[0] + out_c[1]
    forces = jnp.zeros_like(pos)
    return (energy, forces, num_atoms)

# --- scband reference (transcript-rebuilt; emitter-appended) ---
"""Pipeline reference for scband-energy-forces-head-15848429322581 (READ-ONLY COPY).

The authoritative reference and input builder live on the scoring server;
editing this copy changes nothing except your own understanding.
"""

import jax, jax.numpy as jnp
import numpy as np

N = 100000
D = 128
H = 64
B = 512

def setup_inputs(seed: int = 0) -> dict:
    key = jax.random.key(seed)
    k1, k2, k3, k4, k5, k6 = jax.random.split(key, 6)
    node_feats = jax.random.normal(k1, (N, D), dtype=jnp.float32)
    pos = jax.random.normal(k2, (N, 3), dtype=jnp.float32)
    batch = jnp.sort(jax.random.randint(k3, (N,), 0, B, dtype=jnp.int64))
    W1 = jax.random.normal(k4, (D, H), dtype=jnp.float32) * (1.0 / np.sqrt(D))
    b1 = jnp.zeros((H,), dtype=jnp.float32)
    W2 = jax.random.normal(k5, (H, 1), dtype=jnp.float32) * (1.0 / np.sqrt(H))
    b2 = jnp.zeros((1,), dtype=jnp.float32)
    return {"node_feats": node_feats, "pos": pos, "batch": batch, "W1": W1, "b1": b1, "W2": W2, "b2": b2}

def reference(node_feats, pos, batch, W1, b1, W2, b2):
    # ScalarReadout: 2-layer MLP on scalar node features -> per-atom energy
    h = jax.nn.silu(node_feats @ W1 + b1)
    node_energies = (h @ W2 + b2)[:, 0]
    # scatter-sum per-atom energies into per-graph energies
    energy = jax.ops.segment_sum(node_energies, batch, num_segments=B)
    num_atoms = jax.ops.segment_sum(jnp.ones_like(node_energies), batch, num_segments=B)
    # pos does not require grad in this harness -> forces branch returns zeros_like(pos)
    forces = jnp.zeros_like(pos)
    return (energy, forces, num_atoms)

if __name__ == "__main__":
    import jax
    _d = setup_inputs()
    print(jax.jit(kernel)(*tuple(_d.values())))

</pallas_src>

<mosaic_0001>
#map = affine_map<(d0, d1) -> (0, 0)>
module attributes {stable_mosaic.version = 14 : i64} {
  func.func @_sc_segsum(%arg0: i32, %arg1: i32, %arg2: memref<32x3125xf32, #tpu.memory_space<hbm>>, %arg3: memref<32x3125xi32, #tpu.memory_space<hbm>>, %arg4: memref<2x512xf32, #tpu.memory_space<hbm>>, %arg5: memref<2x512xf32, #tpu.memory_space<hbm>>, %arg6: memref<3125xf32, #tpu.memory_space<vmem>>, %arg7: memref<3125xi32, #tpu.memory_space<vmem>>, %arg8: memref<3136xf32, #tpu.memory_space<vmem>>, %arg9: memref<512xf32, #tpu.memory_space<vmem>>, %arg10: memref<512xf32, #tpu.memory_space<vmem_shared>>, %arg11: memref<512xf32, #tpu.memory_space<vmem_shared>>) attributes {dimension_semantics = [#tpu.dimension_semantics<core_parallel>, #tpu.dimension_semantics<subcore_parallel>], iteration_bounds = array<i64: 2, 16>, scalar_prefetch = 0 : i64, scratch_operands = 6 : i64, tpu.core_type = #tpu.core_type<sc_vector_subcore>, window_params = [{transform_indices = #map}, {transform_indices = #map}, {transform_indices = #map}, {transform_indices = #map}]} {
    %mul3A = arith.constant 16 : i32
    %mul3A_0 = arith.muli %arg0, %mul3A : i32
    %add3A = arith.addi %mul3A_0, %arg1 : i32
    "tpu.region"() ({
      %run_scoped3A = tpu.sem_alloc : memref<!tpu.dma_semaphore, #tpu.memory_space<semaphore_mem>>
      %dma_start3A = arith.constant 0 : i32
      %dma_start3A_15 = tpu.memref_slice %arg2[%add3A, %dma_start3A] : memref<32x3125xf32, #tpu.memory_space<hbm>> -> memref<1x3125xf32, #tpu.memory_space<hbm>>
      %dma_start3A_16 = tpu.memref_squeeze %dma_start3A_15 : memref<1x3125xf32, #tpu.memory_space<hbm>> -> memref<3125xf32, #tpu.memory_space<hbm>>
      %dma_start3A_17 = arith.constant 0 : i32
      %dma_start3A_18 = tpu.memref_slice %arg2[%add3A, %dma_start3A_17] : memref<32x3125xf32, #tpu.memory_space<hbm>> -> memref<1x3125xf32, #tpu.memory_space<hbm>>
      %dma_start3A_19 = tpu.memref_squeeze %dma_start3A_18 : memref<1x3125xf32, #tpu.memory_space<hbm>> -> memref<3125xf32, #tpu.memory_space<hbm>>
      tpu.enqueue_dma source(%dma_start3A_19 : memref<3125xf32, #tpu.memory_space<hbm>>) target(%arg6 : memref<3125xf32, #tpu.memory_space<vmem>>) target_semaphore(%run_scoped3A : memref<!tpu.dma_semaphore, #tpu.memory_space<semaphore_mem>>)
      %dma_wait3A = arith.constant 0 : i32
      %dma_wait3A_20 = tpu.memref_slice %arg2[%add3A, %dma_wait3A] : memref<32x3125xf32, #tpu.memory_space<hbm>> -> memref<1x3125xf32, #tpu.memory_space<hbm>>
      %dma_wait3A_21 = tpu.memref_squeeze %dma_wait3A_20 : memref<1x3125xf32, #tpu.memory_space<hbm>> -> memref<3125xf32, #tpu.memory_space<hbm>>
      %dma_wait3A_22 = arith.constant 0 : i32
      %dma_wait3A_23 = tpu.memref_slice %arg2[%add3A, %dma_wait3A_22] : memref<32x3125xf32, #tpu.memory_space<hbm>> -> memref<1x3125xf32, #tpu.memory_space<hbm>>
      %dma_wait3A_24 = tpu.memref_squeeze %dma_wait3A_23 : memref<1x3125xf32, #tpu.memory_space<hbm>> -> memref<3125xf32, #tpu.memory_space<hbm>>
      tpu.wait_dma2 semaphore(%run_scoped3A : memref<!tpu.dma_semaphore, #tpu.memory_space<semaphore_mem>>) src(%dma_wait3A_24 : memref<3125xf32, #tpu.memory_space<hbm>>) dst(%arg6 : memref<3125xf32, #tpu.memory_space<vmem>>)
      tpu.yield
    }) : () -> ()
    "tpu.region"() ({
      %run_scoped3A = tpu.sem_alloc : memref<!tpu.dma_semaphore, #tpu.memory_space<semaphore_mem>>
      %dma_start3A = arith.constant 0 : i32
      %dma_start3A_15 = tpu.memref_slice %arg3[%add3A, %dma_start3A] : memref<32x3125xi32, #tpu.memory_space<hbm>> -> memref<1x3125xi32, #tpu.memory_space<hbm>>
      %dma_start3A_16 = tpu.memref_squeeze %dma_start3A_15 : memref<1x3125xi32, #tpu.memory_space<hbm>> -> memref<3125xi32, #tpu.memory_space<hbm>>
      %dma_start3A_17 = arith.constant 0 : i32
      %dma_start3A_18 = tpu.memref_slice %arg3[%add3A, %dma_start3A_17] : memref<32x3125xi32, #tpu.memory_space<hbm>> -> memref<1x3125xi32, #tpu.memory_space<hbm>>
      %dma_start3A_19 = tpu.memref_squeeze %dma_start3A_18 : memref<1x3125xi32, #tpu.memory_space<hbm>> -> memref<3125xi32, #tpu.memory_space<hbm>>
      tpu.enqueue_dma source(%dma_start3A_19 : memref<3125xi32, #tpu.memory_space<hbm>>) target(%arg7 : memref<3125xi32, #tpu.memory_space<vmem>>) target_semaphore(%run_scoped3A : memref<!tpu.dma_semaphore, #tpu.memory_space<semaphore_mem>>)
      %dma_wait3A = arith.constant 0 : i32
      %dma_wait3A_20 = tpu.memref_slice %arg3[%add3A, %dma_wait3A] : memref<32x3125xi32, #tpu.memory_space<hbm>> -> memref<1x3125xi32, #tpu.memory_space<hbm>>
      %dma_wait3A_21 = tpu.memref_squeeze %dma_wait3A_20 : memref<1x3125xi32, #tpu.memory_space<hbm>> -> memref<3125xi32, #tpu.memory_space<hbm>>
      %dma_wait3A_22 = arith.constant 0 : i32
      %dma_wait3A_23 = tpu.memref_slice %arg3[%add3A, %dma_wait3A_22] : memref<32x3125xi32, #tpu.memory_space<hbm>> -> memref<1x3125xi32, #tpu.memory_space<hbm>>
      %dma_wait3A_24 = tpu.memref_squeeze %dma_wait3A_23 : memref<1x3125xi32, #tpu.memory_space<hbm>> -> memref<3125xi32, #tpu.memory_space<hbm>>
      tpu.wait_dma2 semaphore(%run_scoped3A : memref<!tpu.dma_semaphore, #tpu.memory_space<semaphore_mem>>) src(%dma_wait3A_24 : memref<3125xi32, #tpu.memory_space<hbm>>) dst(%arg7 : memref<3125xi32, #tpu.memory_space<vmem>>)
      tpu.yield
    }) : () -> ()
    %scan3A = arith.constant 0 : i32
    %scan3A_1 = arith.constant 0 : i32
    %scan3A_2 = arith.constant 49 : i32
    %scan3A_3 = arith.addi %scan3A_1, %scan3A_2 : i32
    %scan3A_4 = arith.constant 1 : i32
    %scan3A_5 = scf.for %scan3A_15 = %scan3A_1 to %scan3A_3 step %scan3A_4 iter_args(%scan3A_16 = %scan3A) -> (i32)  : i32 {
      %broadcast_in_dim3A = arith.constant 1.000000e+00 : f32
      %broadcast_in_dim3A_17 = vector.broadcast %broadcast_in_dim3A : f32 to vector<16xf32>
      %mul3A_18 = arith.constant 64 : i32
      %mul3A_19 = arith.muli %scan3A_15, %mul3A_18 : i32
      %add3A_20 = arith.constant 0 : i32
      %add3A_21 = arith.addi %mul3A_19, %add3A_20 : i32
      %swap3A = arith.index_cast %add3A_21 : i32 to index
      %swap3A_22 = tpu.vector_load %arg8[%swap3A] {strides = array<i32>} : memref<3136xf32, #tpu.memory_space<vmem>>, vector<16xf32>,
      %swap3A_23 = vector.shape_cast %swap3A_22 : vector<16xf32> to vector<16xf32>
      %swap3A_24 = vector.shape_cast %broadcast_in_dim3A_17 : vector<16xf32> to vector<16xf32>
      tpu.vector_store %arg8[%swap3A], %swap3A_24 {strides = array<i32>} : memref<3136xf32, #tpu.memory_space<vmem>>, vector<16xf32>,
      %broadcast_in_dim3A_25 = arith.constant 1.000000e+00 : f32
      %broadcast_in_dim3A_26 = vector.broadcast %broadcast_in_dim3A_25 : f32 to vector<16xf32>
      %mul3A_27 = arith.constant 64 : i32
      %mul3A_28 = arith.muli %scan3A_15, %mul3A_27 : i32
      %add3A_29 = arith.constant 16 : i32
      %add3A_30 = arith.addi %mul3A_28, %add3A_29 : i32
      %swap3A_31 = arith.index_cast %add3A_30 : i32 to index
      %swap3A_32 = tpu.vector_load %arg8[%swap3A_31] {strides = array<i32>} : memref<3136xf32, #tpu.memory_space<vmem>>, vector<16xf32>,
      %swap3A_33 = vector.shape_cast %swap3A_32 : vector<16xf32> to vector<16xf32>
      %swap3A_34 = vector.shape_cast %broadcast_in_dim3A_26 : vector<16xf32> to vector<16xf32>
      tpu.vector_store %arg8[%swap3A_31], %swap3A_34 {strides = array<i32>} : memref<3136xf32, #tpu.memory_space<vmem>>, vector<16xf32>,
      %broadcast_in_dim3A_35 = arith.constant 1.000000e+00 : f32
      %broadcast_in_dim3A_36 = vector.broadcast %broadcast_in_dim3A_35 : f32 to vector<16xf32>
      %mul3A_37 = arith.constant 64 : i32
      %mul3A_38 = arith.muli %scan3A_15, %mul3A_37 : i32
      %add3A_39 = arith.constant 32 : i32
      %add3A_40 = arith.addi %mul3A_38, %add3A_39 : i32
      %swap3A_41 = arith.index_cast %add3A_40 : i32 to index
      %swap3A_42 = tpu.vector_load %arg8[%swap3A_41] {strides = array<i32>} : memref<3136xf32, #tpu.memory_space<vmem>>, vector<16xf32>,
      %swap3A_43 = vector.shape_cast %swap3A_42 : vector<16xf32> to vector<16xf32>
      %swap3A_44 = vector.shape_cast %broadcast_in_dim3A_36 : vector<16xf32> to vector<16xf32>
      tpu.vector_store %arg8[%swap3A_41], %swap3A_44 {strides = array<i32>} : memref<3136xf32, #tpu.memory_space<vmem>>, vector<16xf32>,
      %broadcast_in_dim3A_45 = arith.constant 1.000000e+00 : f32
      %broadcast_in_dim3A_46 = vector.broadcast %broadcast_in_dim3A_45 : f32 to vector<16xf32>
      %mul3A_47 = arith.constant 64 : i32
      %mul3A_48 = arith.muli %scan3A_15, %mul3A_47 : i32
      %add3A_49 = arith.constant 48 : i32
      %add3A_50 = arith.addi %mul3A_48, %add3A_49 : i32
      %swap3A_51 = arith.index_cast %add3A_50 : i32 to index
      %swap3A_52 = tpu.vector_load %arg8[%swap3A_51] {strides = array<i32>} : memref<3136xf32, #tpu.memory_space<vmem>>, vector<16xf32>,
      %swap3A_53 = vector.shape_cast %swap3A_52 : vector<16xf32> to vector<16xf32>
      %swap3A_54 = vector.shape_cast %broadcast_in_dim3A_46 : vector<16xf32> to vector<16xf32>
      tpu.vector_store %arg8[%swap3A_51], %swap3A_54 {strides = array<i32>} : memref<3136xf32, #tpu.memory_space<vmem>>, vector<16xf32>,
      %scan3A_55 = arith.constant 0 : i32
      scf.yield %scan3A_55 : i32
    }
    %scan3A_6 = arith.constant 49 : i32
    %eq3A = arith.constant 0 : i32
    %eq3A_7 = arith.cmpi eq, %arg1, %eq3A : i32
    %convert_element_type3A = arith.extui %eq3A_7 : i1 to i32
    %cond3A = arith.constant 0 : i32
    %cond3A_8 = arith.cmpi ne, %convert_element_type3A, %cond3A : i32
    scf.if %cond3A_8 {
      %scan3A_15 = arith.constant 0 : i32
      %scan3A_16 = arith.constant 0 : i32
      %scan3A_17 = arith.constant 8 : i32
      %scan3A_18 = arith.addi %scan3A_16, %scan3A_17 : i32
      %scan3A_19 = arith.constant 1 : i32
      %scan3A_20 = scf.for %scan3A_22 = %scan3A_16 to %scan3A_18 step %scan3A_19 iter_args(%scan3A_23 = %scan3A_15) -> (i32)  : i32 {
        %broadcast_in_dim3A = arith.constant 0.000000e+00 : f32
        %broadcast_in_dim3A_24 = vector.broadcast %broadcast_in_dim3A : f32 to vector<16xf32>
        %mul3A_25 = arith.constant 64 : i32
        %mul3A_26 = arith.muli %scan3A_22, %mul3A_25 : i32
        %add3A_27 = arith.constant 0 : i32
        %add3A_28 = arith.addi %mul3A_26, %add3A_27 : i32
        %swap3A = arith.index_cast %add3A_28 : i32 to index
        %swap3A_29 = tpu.vector_load %arg9[%swap3A] {strides = array<i32>} : memref<512xf32, #tpu.memory_space<vmem>>, vector<16xf32>,
        %swap3A_30 = vector.shape_cast %swap3A_29 : vector<16xf32> to vector<16xf32>
        %swap3A_31 = vector.shape_cast %broadcast_in_dim3A_24 : vector<16xf32> to vector<16xf32>
        tpu.vector_store %arg9[%swap3A], %swap3A_31 {strides = array<i32>} : memref<512xf32, #tpu.memory_space<vmem>>, vector<16xf32>,
        %broadcast_in_dim3A_32 = arith.constant 0.000000e+00 : f32
        %broadcast_in_dim3A_33 = vector.broadcast %broadcast_in_dim3A_32 : f32 to vector<16xf32>
        %mul3A_34 = arith.constant 64 : i32
        %mul3A_35 = arith.muli %scan3A_22, %mul3A_34 : i32
        %add3A_36 = arith.constant 16 : i32
        %add3A_37 = arith.addi %mul3A_35, %add3A_36 : i32
        %swap3A_38 = arith.index_cast %add3A_37 : i32 to index
        %swap3A_39 = tpu.vector_load %arg9[%swap3A_38] {strides = array<i32>} : memref<512xf32, #tpu.memory_space<vmem>>, vector<16xf32>,
        %swap3A_40 = vector.shape_cast %swap3A_39 : vector<16xf32> to vector<16xf32>
        %swap3A_41 = vector.shape_cast %broadcast_in_dim3A_33 : vector<16xf32> to vector<16xf32>
        tpu.vector_store %arg9[%swap3A_38], %swap3A_41 {strides = array<i32>} : memref<512xf32, #tpu.memory_space<vmem>>, vector<16xf32>,
        %broadcast_in_dim3A_42 = arith.constant 0.000000e+00 : f32
        %broadcast_in_dim3A_43 = vector.broadcast %broadcast_in_dim3A_42 : f32 to vector<16xf32>
        %mul3A_44 = arith.constant 64 : i32
        %mul3A_45 = arith.muli %scan3A_22, %mul3A_44 : i32
        %add3A_46 = arith.constant 32 : i32
        %add3A_47 = arith.addi %mul3A_45, %add3A_46 : i32
        %swap3A_48 = arith.index_cast %add3A_47 : i32 to index
        %swap3A_49 = tpu.vector_load %arg9[%swap3A_48] {strides = array<i32>} : memref<512xf32, #tpu.memory_space<vmem>>, vector<16xf32>,
        %swap3A_50 = vector.shape_cast %swap3A_49 : vector<16xf32> to vector<16xf32>
        %swap3A_51 = vector.shape_cast %broadcast_in_dim3A_43 : vector<16xf32> to vector<16xf32>
        tpu.vector_store %arg9[%swap3A_48], %swap3A_51 {strides = array<i32>} : memref<512xf32, #tpu.memory_space<vmem>>, vector<16xf32>,
        %broadcast_in_dim3A_52 = arith.constant 0.000000e+00 : f32
        %broadcast_in_dim3A_53 = vector.broadcast %broadcast_in_dim3A_52 : f32 to vector<16xf32>
        %mul3A_54 = arith.constant 64 : i32
        %mul3A_55 = arith.muli %scan3A_22, %mul3A_54 : i32
        %add3A_56 = arith.constant 48 : i32
        %add3A_57 = arith.addi %mul3A_55, %add3A_56 : i32
        %swap3A_58 = arith.index_cast %add3A_57 : i32 to index
        %swap3A_59 = tpu.vector_load %arg9[%swap3A_58] {strides = array<i32>} : memref<512xf32, #tpu.memory_space<vmem>>, vector<16xf32>,
        %swap3A_60 = vector.shape_cast %swap3A_59 : vector<16xf32> to vector<16xf32>
        %swap3A_61 = vector.shape_cast %broadcast_in_dim3A_53 : vector<16xf32> to vector<16xf32>
        tpu.vector_store %arg9[%swap3A_58], %swap3A_61 {strides = array<i32>} : memref<512xf32, #tpu.memory_space<vmem>>, vector<16xf32>,
        %scan3A_62 = arith.constant 0 : i32
        scf.yield %scan3A_62 : i32
      }
      %scan3A_21 = arith.constant 8 : i32
      "tpu.region"() ({
        %run_scoped3A = tpu.sem_alloc : memref<!tpu.dma_semaphore, #tpu.memory_space<semaphore_mem>>
        tpu.enqueue_dma source(%arg9 : memref<512xf32, #tpu.memory_space<vmem>>) target(%arg10 : memref<512xf32, #tpu.memory_space<vmem_shared>>) target_semaphore(%run_scoped3A : memref<!tpu.dma_semaphore, #tpu.memory_space<semaphore_mem>>)
        tpu.wait_dma2 semaphore(%run_scoped3A : memref<!tpu.dma_semaphore, #tpu.memory_space<semaphore_mem>>) src(%arg9 : memref<512xf32, #tpu.memory_space<vmem>>) dst(%arg10 : memref<512xf32, #tpu.memory_space<vmem_shared>>)
        tpu.yield
      }) : () -> ()
      "tpu.region"() ({
        %run_scoped3A = tpu.sem_alloc : memref<!tpu.dma_semaphore, #tpu.memory_space<semaphore_mem>>
        tpu.enqueue_dma source(%arg9 : memref<512xf32, #tpu.memory_space<vmem>>) target(%arg11 : memref<512xf32, #tpu.memory_space<vmem_shared>>) target_semaphore(%run_scoped3A : memref<!tpu.dma_semaphore, #tpu.memory_space<semaphore_mem>>)
        tpu.wait_dma2 semaphore(%run_scoped3A : memref<!tpu.dma_semaphore, #tpu.memory_space<semaphore_mem>>) src(%arg9 : memref<512xf32, #tpu.memory_space<vmem>>) dst(%arg11 : memref<512xf32, #tpu.memory_space<vmem_shared>>)
        tpu.yield
      }) : () -> ()
    } else {
    }
    %barrier3A = arith.constant 0 : index
    tpu.barrier barrier_id(%barrier3A)
    "tpu.region"() ({
      %run_scoped3A = tpu.sem_alloc : memref<!tpu.dma_semaphore, #tpu.memory_space<semaphore_mem>>
      %dma_start3A = arith.constant 0 : i32
      %dma_start3A_15 = tpu.memref_slice %arg10[%dma_start3A] : memref<512xf32, #tpu.memory_space<vmem_shared>> -> memref<512xf32, #tpu.memory_space<vmem_shared>>
      tpu.enqueue_indirect_dma source(%arg6 : memref<3125xf32, #tpu.memory_space<vmem>>) target(%dma_start3A_15 : memref<512xf32, #tpu.memory_space<vmem_shared>>) offsets(%arg7 : memref<3125xi32, #tpu.memory_space<vmem>>) semaphore(%run_scoped3A : memref<!tpu.dma_semaphore, #tpu.memory_space<semaphore_mem>>) {add = true}
      %dma_wait3A = arith.constant 0 : i32
      %dma_wait3A_16 = tpu.memref_slice %arg10[%dma_wait3A] : memref<512xf32, #tpu.memory_space<vmem_shared>> -> memref<512xf32, #tpu.memory_space<vmem_shared>>
      tpu.wait_indirect_dma semaphore(%run_scoped3A : memref<!tpu.dma_semaphore, #tpu.memory_space<semaphore_mem>>) src(%arg6 : memref<3125xf32, #tpu.memory_space<vmem>>) dst(%dma_wait3A_16 : memref<512xf32, #tpu.memory_space<vmem_shared>>)
      tpu.yield
    }) : () -> ()
    "tpu.region"() ({
      %run_scoped3A = tpu.sem_alloc : memref<!tpu.dma_semaphore, #tpu.memory_space<semaphore_mem>>
      %dma_start3A = arith.constant 0 : i32
      %dma_start3A_15 = tpu.memref_slice %arg8[%dma_start3A] : memref<3136xf32, #tpu.memory_space<vmem>> -> memref<3125xf32, #tpu.memory_space<vmem>>
      %dma_start3A_16 = arith.constant 0 : i32
      %dma_start3A_17 = tpu.memref_slice %arg11[%dma_start3A_16] : memref<512xf32, #tpu.memory_space<vmem_shared>> -> memref<512xf32, #tpu.memory_space<vmem_shared>>
      tpu.enqueue_indirect_dma source(%dma_start3A_15 : memref<3125xf32, #tpu.memory_space<vmem>>) target(%dma_start3A_17 : memref<512xf32, #tpu.memory_space<vmem_shared>>) offsets(%arg7 : memref<3125xi32, #tpu.memory_space<vmem>>) semaphore(%run_scoped3A : memref<!tpu.dma_semaphore, #tpu.memory_space<semaphore_mem>>) {add = true}
      %dma_wait3A = arith.constant 0 : i32
      %dma_wait3A_18 = tpu.memref_slice %arg8[%dma_wait3A] : memref<3136xf32, #tpu.memory_space<vmem>> -> memref<3125xf32, #tpu.memory_space<vmem>>
      %dma_wait3A_19 = arith.constant 0 : i32
      %dma_wait3A_20 = tpu.memref_slice %arg11[%dma_wait3A_19] : memref<512xf32, #tpu.memory_space<vmem_shared>> -> memref<512xf32, #tpu.memory_space<vmem_shared>>
      tpu.wait_indirect_dma semaphore(%run_scoped3A : memref<!tpu.dma_semaphore, #tpu.memory_space<semaphore_mem>>) src(%dma_wait3A_18 : memref<3125xf32, #tpu.memory_space<vmem>>) dst(%dma_wait3A_20 : memref<512xf32, #tpu.memory_space<vmem_shared>>)
      tpu.yield
    }) : () -> ()
    %barrier3A_9 = arith.constant 0 : index
    tpu.barrier barrier_id(%barrier3A_9)
    %eq3A_10 = arith.constant 0 : i32
    %eq3A_11 = arith.cmpi eq, %arg1, %eq3A_10 : i32
    %convert_element_type3A_12 = arith.extui %eq3A_11 : i1 to i32
    %cond3A_13 = arith.constant 0 : i32
    %cond3A_14 = arith.cmpi ne, %convert_element_type3A_12, %cond3A_13 : i32
    scf.if %cond3A_14 {
      "tpu.region"() ({
        %run_scoped3A = tpu.sem_alloc : memref<!tpu.dma_semaphore, #tpu.memory_space<semaphore_mem>>
        %dma_start3A = arith.constant 0 : i32
        %dma_start3A_15 = tpu.memref_slice %arg4[%arg0, %dma_start3A] : memref<2x512xf32, #tpu.memory_space<hbm>> -> memref<1x512xf32, #tpu.memory_space<hbm>>
        %dma_start3A_16 = tpu.memref_squeeze %dma_start3A_15 : memref<1x512xf32, #tpu.memory_space<hbm>> -> memref<512xf32, #tpu.memory_space<hbm>>
        tpu.enqueue_dma source(%arg10 : memref<512xf32, #tpu.memory_space<vmem_shared>>) target(%dma_start3A_16 : memref<512xf32, #tpu.memory_space<hbm>>) target_semaphore(%run_scoped3A : memref<!tpu.dma_semaphore, #tpu.memory_space<semaphore_mem>>)
        %dma_wait3A = arith.constant 0 : i32
        %dma_wait3A_17 = tpu.memref_slice %arg4[%arg0, %dma_wait3A] : memref<2x512xf32, #tpu.memory_space<hbm>> -> memref<1x512xf32, #tpu.memory_space<hbm>>
        %dma_wait3A_18 = tpu.memref_squeeze %dma_wait3A_17 : memref<1x512xf32, #tpu.memory_space<hbm>> -> memref<512xf32, #tpu.memory_space<hbm>>
        tpu.wait_dma2 semaphore(%run_scoped3A : memref<!tpu.dma_semaphore, #tpu.memory_space<semaphore_mem>>) src(%arg10 : memref<512xf32, #tpu.memory_space<vmem_shared>>) dst(%dma_wait3A_18 : memref<512xf32, #tpu.memory_space<hbm>>)
        tpu.yield
      }) : () -> ()
      "tpu.region"() ({
        %run_scoped3A = tpu.sem_alloc : memref<!tpu.dma_semaphore, #tpu.memory_space<semaphore_mem>>
        %dma_start3A = arith.constant 0 : i32
        %dma_start3A_15 = tpu.memref_slice %arg5[%arg0, %dma_start3A] : memref<2x512xf32, #tpu.memory_space<hbm>> -> memref<1x512xf32, #tpu.memory_space<hbm>>
        %dma_start3A_16 = tpu.memref_squeeze %dma_start3A_15 : memref<1x512xf32, #tpu.memory_space<hbm>> -> memref<512xf32, #tpu.memory_space<hbm>>
        tpu.enqueue_dma source(%arg11 : memref<512xf32, #tpu.memory_space<vmem_shared>>) target(%dma_start3A_16 : memref<512xf32, #tpu.memory_space<hbm>>) target_semaphore(%run_scoped3A : memref<!tpu.dma_semaphore, #tpu.memory_space<semaphore_mem>>)
        %dma_wait3A = arith.constant 0 : i32
        %dma_wait3A_17 = tpu.memref_slice %arg5[%arg0, %dma_wait3A] : memref<2x512xf32, #tpu.memory_space<hbm>> -> memref<1x512xf32, #tpu.memory_space<hbm>>
        %dma_wait3A_18 = tpu.memref_squeeze %dma_wait3A_17 : memref<1x512xf32, #tpu.memory_space<hbm>> -> memref<512xf32, #tpu.memory_space<hbm>>
        tpu.wait_dma2 semaphore(%run_scoped3A : memref<!tpu.dma_semaphore, #tpu.memory_space<semaphore_mem>>) src(%arg11 : memref<512xf32, #tpu.memory_space<vmem_shared>>) dst(%dma_wait3A_18 : memref<512xf32, #tpu.memory_space<hbm>>)
        tpu.yield
      }) : () -> ()
    } else {
    }
    return
  }
}

module attributes {stable_mosaic.version = 14 : i64} {
  func.func @_mlp_body(%arg0: i32, %arg1: memref<13312x128xf32, #tpu.memory_space<vmem>>, %arg2: memref<1664x8xi32, #tpu.memory_space<vmem>>, %arg3: memref<128x64xf32, #tpu.memory_space<vmem>>, %arg4: memref<1x64xf32, #tpu.memory_space<vmem>>, %arg5: memref<64x1xf32, #tpu.memory_space<vmem>>, %arg6: memref<1x1xf32, #tpu.memory_space<vmem>>, %arg7: memref<8x1664xf32, #tpu.memory_space<vmem>>, %arg8: memref<8x1664xi32, #tpu.memory_space<vmem>>) attributes {dimension_semantics = [#tpu.dimension_semantics<arbitrary>], iteration_bounds = array<i64: 8>, scalar_prefetch = 0 : i64, scratch_operands = 0 : i64, tpu.core_type = #tpu.core_type<tc>, window_params = [{transform_indices = @transform_0, window_bounds = array<i64: 13312, 128>}, {transform_indices = @transform_1, window_bounds = array<i64: 1664, 8>}, {pipeline_mode = #tpu.pipeline_mode<synchronous>, transform_indices = @transform_2, window_bounds = array<i64: 128, 64>}, {pipeline_mode = #tpu.pipeline_mode<synchronous>, transform_indices = @transform_3, window_bounds = array<i64: 1, 64>}, {pipeline_mode = #tpu.pipeline_mode<synchronous>, transform_indices = @transform_4, window_bounds = array<i64: 64, 1>}, {pipeline_mode = #tpu.pipeline_mode<synchronous>, transform_indices = @transform_5, window_bounds = array<i64: 1, 1>}, {transform_indices = @transform_6, window_bounds = array<i64: 8, 1664>}, {transform_indices = @transform_7, window_bounds = array<i64: 8, 1664>}]} {
    %get3A = arith.constant 0 : index
    %get3A_0 = arith.constant 0 : index
    %get3A_1 = vector.load %arg1[%get3A, %get3A_0] : memref<13312x128xf32, #tpu.memory_space<vmem>>, vector<13312x128xf32>
    %get3A_2 = arith.constant 0 : index
    %get3A_3 = arith.constant 0 : index
    %get3A_4 = vector.load %arg3[%get3A_2, %get3A_3] : memref<128x64xf32, #tpu.memory_space<vmem>>, vector<128x64xf32>
    %dot_general3A = arith.constant dense<0.000000e+00> : vector<13312x64xf32>
    %dot_general3A_5 = tpu.matmul %get3A_1, %get3A_4, %dot_general3A {dimension_numbers = #tpu.dot_dimension_numbers<[1], [0], [0], [1], [0, 0, 1, 1], [], []>, transpose_lhs_hint = false} : vector<13312x128xf32>, vector<128x64xf32>, vector<13312x64xf32> -> vector<13312x64xf32>
    %get3A_6 = arith.constant 0 : index
    %get3A_7 = arith.constant 0 : index
    %get3A_8 = vector.load %arg4[%get3A_6, %get3A_7] : memref<1x64xf32, #tpu.memory_space<vmem>>, vector<1x64xf32>
    %add3A = vector.broadcast %get3A_8 : vector<1x64xf32> to vector<13312x64xf32>
    %add3A_9 = arith.addf %dot_general3A_5, %add3A : vector<13312x64xf32>
    %logistic3A = arith.negf %add3A_9 : vector<13312x64xf32>
    %logistic3A_10 = math.exp %logistic3A : vector<13312x64xf32>
    %logistic3A_11 = arith.constant 1.000000e+00 : f32
    %logistic3A_12 = vector.broadcast %logistic3A_11 : f32 to vector<13312x64xf32>
    %logistic3A_13 = arith.addf %logistic3A_12, %logistic3A_10 : vector<13312x64xf32>
    %logistic3A_14 = arith.divf %logistic3A_12, %logistic3A_13 : vector<13312x64xf32>
    %mul3A = arith.mulf %add3A_9, %logistic3A_14 : vector<13312x64xf32>
    %get3A_15 = arith.constant 0 : index
    %get3A_16 = arith.constant 0 : index
    %get3A_17 = vector.load %arg5[%get3A_15, %get3A_16] : memref<64x1xf32, #tpu.memory_space<vmem>>, vector<64x1xf32>
    %dot_general3A_18 = arith.constant dense<0.000000e+00> : vector<13312x1xf32>
    %dot_general3A_19 = tpu.matmul %mul3A, %get3A_17, %dot_general3A_18 {dimension_numbers = #tpu.dot_dimension_numbers<[1], [0], [0], [1], [0, 0, 1, 1], [], []>, transpose_lhs_hint = false} : vector<13312x64xf32>, vector<64x1xf32>, vector<13312x1xf32> -> vector<13312x1xf32>
    %get3A_20 = arith.constant 0 : index
    %get3A_21 = arith.constant 0 : index
    %get3A_22 = vector.load %arg6[%get3A_20, %get3A_21] : memref<1x1xf32, #tpu.memory_space<vmem>>, vector<1x1xf32>
    %add3A_23 = vector.broadcast %get3A_22 : vector<1x1xf32> to vector<13312x1xf32>
    %add3A_24 = arith.addf %dot_general3A_19, %add3A_23 : vector<13312x1xf32>
    %reshape3A = vector.shape_cast %add3A_24 : vector<13312x1xf32> to vector<1664x8xf32>
    %transpose3A = tpu.transpose %reshape3A, [1, 0] : vector<1664x8xf32> -> vector<8x1664xf32>
    %swap3A = arith.constant 0 : index
    %swap3A_25 = arith.constant 0 : index
    %swap3A_26 = vector.load %arg7[%swap3A, %swap3A_25] : memref<8x1664xf32, #tpu.memory_space<vmem>>, vector<8x1664xf32>
    tpu.vector_store %arg7[%swap3A, %swap3A_25], %transpose3A {strides = array<i32>} : memref<8x1664xf32, #tpu.memory_space<vmem>>, vector<8x1664xf32>,
    %get3A_27 = arith.constant 0 : index
    %get3A_28 = arith.constant 0 : index
    %get3A_29 = vector.load %arg2[%get3A_27, %get3A_28] : memref<1664x8xi32, #tpu.memory_space<vmem>>, vector<1664x8xi32>
    %transpose3A_30 = tpu.transpose %get3A_29, [1, 0] : vector<1664x8xi32> -> vector<8x1664xi32>
    %swap3A_31 = arith.constant 0 : index
    %swap3A_32 = arith.constant 0 : index
    %swap3A_33 = vector.load %arg8[%swap3A_31, %swap3A_32] : memref<8x1664xi32, #tpu.memory_space<vmem>>, vector<8x1664xi32>
    tpu.vector_store %arg8[%swap3A_31, %swap3A_32], %transpose3A_30 {strides = array<i32>} : memref<8x1664xi32, #tpu.memory_space<vmem>>, vector<8x1664xi32>,
    return
  }
  func.func @transform_0(%arg0: i32) -> (i32, i32) {
    %c0_i32 = arith.constant 0 : i32
    %c0_i32_0 = arith.constant 0 : i32
    return %arg0, %c0_i32 : i32, i32
  }
  func.func @transform_1(%arg0: i32) -> (i32, i32) {
    %c0_i32 = arith.constant 0 : i32
    %c0_i32_0 = arith.constant 0 : i32
    return %arg0, %c0_i32 : i32, i32
  }
  func.func @transform_2(%arg0: i32) -> (i32, i32) {
    %c0_i32 = arith.constant 0 : i32
    %c0_i32_0 = arith.constant 0 : i32
    %c0_i32_1 = arith.constant 0 : i32
    return %c0_i32, %c0_i32_0 : i32, i32
  }
  func.func @transform_3(%arg0: i32) -> (i32, i32) {
    %c0_i32 = arith.constant 0 : i32
    %c0_i32_0 = arith.constant 0 : i32
    %c0_i32_1 = arith.constant 0 : i32
    return %c0_i32, %c0_i32_0 : i32, i32
  }
  func.func @transform_4(%arg0: i32) -> (i32, i32) {
    %c0_i32 = arith.constant 0 : i32
    %c0_i32_0 = arith.constant 0 : i32
    %c0_i32_1 = arith.constant 0 : i32
    return %c0_i32, %c0_i32_0 : i32, i32
  }
  func.func @transform_5(%arg0: i32) -> (i32, i32) {
    %c0_i32 = arith.constant 0 : i32
    %c0_i32_0 = arith.constant 0 : i32
    %c0_i32_1 = arith.constant 0 : i32
    return %c0_i32, %c0_i32_0 : i32, i32
  }
  func.func @transform_6(%arg0: i32) -> (i32, i32) {
    %c0_i32 = arith.constant 0 : i32
    %c0_i32_0 = arith.constant 0 : i32
    return %c0_i32, %arg0 : i32, i32
  }
  func.func @transform_7(%arg0: i32) -> (i32, i32) {
    %c0_i32 = arith.constant 0 : i32
    %c0_i32_0 = arith.constant 0 : i32
    return %c0_i32, %arg0 : i32, i32
  }
}

</mosaic_0001>

<sc_bundles>
// kernel: kernel.4.cloned.1.call-start
scs
__scs_entry_jumppad:
0x0: {  	(pc) =	sbr.rel $0x88, $3  }
0x1: {  	(tag) =	ssettag $0x0;
	lr =	simm.s32 $0x1  }
0x2: {  	[smem:$0x3F9B] =	sst lr;
	_ =	strace $0xD0000000  }
0x3: {  	_ = 	snop  }
0x4: {  	_ = 	snop  }
0x5: {  	_ = 	snop  }
0x6: {  	_ = 	snop  }
0x7: {  	_ = 	snop  }
__scs_overlays_trampoline_lowered:
0x8: {  	[smem:$0x3FAA] =	sst s0  }
0x9: {  	[smem:$0x3FAB] =	sst s1  }
0xa: {  	[smem:$0x3FAC] =	sst s2  }
0xb: {  	[smem:$0x3FAD] =	sst s3  }
0xc: {  	[smem:$0x3FAE] =	sst s4  }
0xd: {  	[smem:$0x3FAF] =	sst s5  }
0xe: {  	[smem:$0x3FB0] =	sst s6  }
0xf: {  	[smem:$0x3FB1] =	sst s7  }
0x10: {  	[smem:$0x3FB2] =	sst s8  }
0x11: {  	[smem:$0x3FB3] =	sst s9;
	s0 =	simm.s32 @!p0 $0x0  }
0x12: {  	s1 =	sld [smem:$0x3F99];
	s0 =	simm.s32 @p0 $0x1  }
0x13: {  	[smem:$0x3FB4] =	sst s0;
	s0 =	simm.s32 @!p1 $0x0  }
0x14: {  	s2 =	sld [smem:$0x3F98];
	s0 =	simm.s32 @p1 $0x1  }
0x15: {  	[smem:$0x3FB5] =	sst s0;
	s0 =	simm.s32 @!p2 $0x0  }
0x16: {  	s3 =	sld [smem:$0x3FDB];
	s0 =	simm.s32 @p2 $0x1  }
0x17: {  	s4 =	simm.s32 $0x1BF5;
	[smem:$0x3FB7] =	sst s0  }
0x18: {  	s0 =	sld [smem:$0x3F9A];
	_ =	swait.ge [sflag:s4], $0x0  }
0x19: {  	s7 =	sld [smem:$0x3F9B]  }
0x1a: {  	s8 =	sadd.s32 $0xFFFFE003, lr  }
0x1b: {  	s9 =	sadd.s32 $0xFFFFFEF7, lr;
	s5 =	simm.s32 $0xFFFFFFFF;
	p2 =	slt.u32 s8, $0xFFFFF086  }
0x1c: {  	p1 =	slt.u32 s9, $0xF7A;
	s5 =	simm.s32 @!p2 $0x0  }
0x1d: {  	s5 =	simm.s32 @p1 $0x1;
	p0 =	seq.s32 s7, s2  }
0x1e: {  	s7 =	smul.u32 @!p0 $0xF7A, s2;
	p2 =	seq.s32 @!p0 s5, $0x0  }
0x1f: {  	s9 =	smul.u32 $0xF7A, s1;
	s8 =	simm.s32 @!p0 $0x1BF5;
	p2 =	por !p2, p0  }
0x20: {  	[sflag:s8] =	ssyncset.s32 @!p0 $0xFFFFF086;
	s6 =	sadd.s32 @!p0 s3, s7;
	s7 =	simm.s32 @!p0 $0x108  }
0x21: {  	s3 =	sadd.s32 s3, s9;
	s6 =	sadd.s32 @!p0 $0x88, s6;
	s7 =	simm.s32 @p2 $0x1082  }
0x22: {  	[simem:s7], [sflag:s8] =	dma.local @!p0 [hbm:s6], $0xF7A  }
0x23: {  	s9 =	sor.u32 $0xD0000000, s2;
	s6 =	simm.s32 $0x108;
	_ =	swait.ge @!p0 [sflag:s8], $0x0  }
0x24: {  	s3 =	sadd.s32 $0x88, s3;
	s6 =	simm.s32 @!p1 $0x1082;
	[sflag:s4] =	ssyncset.s32 $0xFFFFF086  }
0x25: {  	[simem:s6], [sflag:s4] =	dma.local [hbm:s3], $0xF7A  }
0x26: {  	[smem:$0x3F9B] =	sst s1;
	(tag) =	ssettag s2;
	_ =	strace s9  }
0x27: {  	s1 =	sld [smem:$0x3FAB]  }
0x28: {  	s2 =	sld [smem:$0x3FAC]  }
0x29: {  	s4 =	sld [smem:$0x3FAE]  }
0x2a: {  	p0 =	seq.s32 s5, $0x0;
	s5 =	sld [smem:$0x3FAF]  }
0x2b: {  	s6 =	sld [smem:$0x3FB0]  }
0x2c: {  	s7 =	sld [smem:$0x3FB1]  }
0x2d: {  	s3 =	simm.s32 $0x108;
	s8 =	sld [smem:$0x3FB2]  }
0x2e: {  	s3 =	simm.s32 @!p0 $0x1082;
	s9 =	sld [smem:$0x3FB3]  }
0x2f: {  	lr =	sadd.s32 s0, s3;
	s0 =	sld [smem:$0x3FAA]  }
0x30: {  	s3 =	sld [smem:$0x3FAD]  }
0x31: {  	[smem:$0x3FB6] =	sst s10  }
0x32: {  	s10 =	sld [smem:$0x3FB4];
	_ =	sdelay $0x3  }
0x33: {  	p0 =	seq.s32 s10, $0x1;
	s10 =	sld [smem:$0x3FB6];
	_ =	sdelay $0x3  }
0x34: {  	[smem:$0x3FB6] =	sst s10  }
0x35: {  	s10 =	sld [smem:$0x3FB5];
	_ =	sdelay $0x3  }
0x36: {  	p1 =	seq.s32 s10, $0x1;
	s10 =	sld [smem:$0x3FB6];
	_ =	sdelay $0x3  }
0x37: {  	[smem:$0x3FB6] =	sst s10  }
0x38: {  	s10 =	sld [smem:$0x3FB7]  }
0x39: {  	_ = 	snop;
	(pc) =	sbr.ind lr, $3  }
0x3a: {  	_ = 	snop  }
0x3b: {  	_ = 	snop  }
0x3c: {  	p2 =	seq.s32 s10, $0x1;
	s10 =	sld [smem:$0x3FB6]  }
0x3d: {  	_ =	shalt  }
0x3e: {  	_ =	shalt  }
0x3f: {  	_ =	shalt  }
0x40: {  	_ =	shalt  }
0x41: {  	_ =	shalt  }
0x42: {  	_ =	shalt  }
0x43: {  	_ =	shalt  }
0x44: {  	_ =	shalt  }
0x45: {  	_ =	shalt  }
0x46: {  	_ =	shalt  }
0x47: {  	_ =	shalt  }
0x48: {  	_ =	shalt  }
0x49: {  	_ =	shalt  }
0x4a: {  	_ =	shalt  }
0x4b: {  	_ =	shalt  }
0x4c: {  	_ =	shalt  }
0x4d: {  	_ =	shalt  }
0x4e: {  	_ =	shalt  }
0x4f: {  	_ =	shalt  }
0x50: {  	_ =	shalt  }
0x51: {  	_ =	shalt  }
0x52: {  	_ =	shalt  }
0x53: {  	_ =	shalt  }
0x54: {  	_ =	shalt  }
0x55: {  	_ =	shalt  }
0x56: {  	_ =	shalt  }
0x57: {  	_ =	shalt  }
0x58: {  	_ =	shalt  }
0x59: {  	_ =	shalt  }
0x5a: {  	_ =	shalt  }
0x5b: {  	_ =	shalt  }
0x5c: {  	_ =	shalt  }
0x5d: {  	_ =	shalt  }
0x5e: {  	_ =	shalt  }
0x5f: {  	_ =	shalt  }
0x60: {  	_ =	shalt  }
0x61: {  	_ =	shalt  }
0x62: {  	_ =	shalt  }
0x63: {  	_ =	shalt  }
0x64: {  	_ =	shalt  }
0x65: {  	_ =	shalt  }
0x66: {  	_ =	shalt  }
0x67: {  	_ =	shalt  }
0x68: {  	_ =	shalt  }
0x69: {  	_ =	shalt  }
0x6a: {  	_ =	shalt  }
0x6b: {  	_ =	shalt  }
0x6c: {  	_ =	shalt  }
0x6d: {  	_ =	shalt  }
0x6e: {  	_ =	shalt  }
0x6f: {  	_ =	shalt  }
0x70: {  	_ =	shalt  }
0x71: {  	_ =	shalt  }
0x72: {  	_ =	shalt  }
0x73: {  	_ =	shalt  }
0x74: {  	_ =	shalt  }
0x75: {  	_ =	shalt  }
0x76: {  	_ =	shalt  }
0x77: {  	_ =	shalt  }
0x78: {  	_ =	shalt  }
0x79: {  	_ =	shalt  }
0x7a: {  	_ =	shalt  }
0x7b: {  	_ =	shalt  }
0x7c: {  	_ =	shalt  }
0x7d: {  	_ =	shalt  }
0x7e: {  	_ =	shalt  }
0x7f: {  	_ =	shalt  }
0x80: {  	_ =	shalt  }
0x81: {  	_ =	shalt  }
0x82: {  	_ =	shalt  }
0x83: {  	_ =	shalt  }
0x84: {  	_ =	shalt  }
0x85: {  	_ =	shalt  }
0x86: {  	_ =	shalt  }
0x87: {  	_ =	shalt  }
.Lfunc_end0:
.L_simem_size_0:
called_computation_lowered:
.L_overlay_start_0:
0x88: {  	s2 =	sld [smem:$0x3FD9]  }
0x89: {  	s3 =	sld [smem:$0x3FFE];
	_ =	sdelay $0x1  }
0x8a: {  	s1 =	srdreg.scid  }
0x8b: {  	s0 =	sand.u32 $0x1, s1  }
0x8c: {  	s14 =	sshll.u32 s0, $0xA;
	s2 =	sadd.s32 s3, s2  }
0x8d: {  	s2 =	sadd.s32 s2, s14  }
0x8e: {  	[smem:$0x3FC2] =	sst s2  }
0x8f: {  	_ = 	snop  }
0x90: {  	s2 =	sld [smem:$0x3FD0];
	_ =	sdelay $0x2  }
0x91: {  	s15 =	simm.s32 $0xA;
	s4 =	simm.s32 $0x10  }
0x92: {  	[smem:s4], [sflag:s15] =	dma.local [hbm:s2], $0x1  }
0x93: {  	_ =	swait.eq [sflag:s15], $0x1  }
0x94: {  	[sflag:s15] =	ssyncset.done $0x0  }
0x95: {  	[sflag:s15] =	ssyncadd.s32 $0xFFFFFFFF  }
0x96: {  	s16 =	sld [smem:$0x11];
	(tm) =	ssettm $0x1  }
0x97: {  	s17 =	sld [smem:$0x3FFB];
	_ =	sdelay $0x3  }
0x98: {  	_ =	strace s17  }
0x99: {  	s3 =	sld [smem:$0x3FFC];
	_ =	sdelay $0x3  }
0x9a: {  	_ =	strace s3  }
0x9b: {  	s3 =	sld [smem:$0x3FFD];
	_ =	sdelay $0x3  }
0x9c: {  	_ =	strace s3  }
0x9d: {  	_ =	strace $0x8FFFFFFF  }
0x9e: {  	s18 =	sld [smem:$0x3FDB];
	_ =	sdelay $0x1  }
0x9f: {  	s19 =	simm.s32 $_scs_section_size  }
0xa0: {  	s5 =	simm.s32 $_size__tile_overlayer_lowered;
	s6 =	simm.s32 $_tile_overlayer_lowered  }
0xa1: {  	s22 =	simm.s32 $0x1BFF;
	s21 =	sshll.u32 s6, $0x1;
	s3 =	sadd.s32 s19, s18  }
0xa2: {  	s7 =	simm.s32 $0x0;
	s20 =	sshll.u32 s5, $0x1;
	s5 =	sadd.s32 s21, s3  }
0xa3: {  	[timem:s7], [sflag:s22] =	dma.local [hbm:s5], s20  }
0xa4: {  	_ =	swait.ge [sflag:s22], s20  }
0xa5: {  	s4 =	ssub.s32 $0x0, s20;
	[sflag:s22] =	ssyncset.done $0x0  }
0xa6: {  	[sflag:s22] =	ssyncadd.s32 s4;
	_ =	sdelay $0x1  }
0xa7: {  	s23 =	simm.s32 $0x1B8B  }
0xa8: {  	_ =	swait.ge [sflag:s23], $0x1  }
0xa9: {  	[sflag:s23] =	ssyncset.done $0x0  }
0xaa: {  	s25 =	simm.s32 $0x1B8E;
	s24 =	sld [smem:$0x3FFE];
	[sflag:s23] =	ssyncadd.s32 $0xFFFFFFFF  }
0xab: {  	s26 =	simm.s32 $execute0_lowered;
	[smem:$0x3FD2] =	sst s25  }
0xac: {  	s5 =	sshll.u32 s26, $0x1;
	_ =	strace $0x80000046;
	[dreg:$0x1] =	wrdreg $0xFFFFFFFF  }
0xad: {  	s28 =	simm.s32 $_size_execute0_lowered;
	s3 =	sadd.s32 s3, s5;
	[dreg:$0x0] =	wrdreg $0x0  }
0xae: {  	s5 =	sshll.u32 s28, $0x1;
	[dreg:$0x2] =	wrdreg s3  }
0xaf: {  	[dreg:$0x3] =	wrdreg s5  }
0xb0: {  	[dreg:$0x4] =	wrdreg $0xC0  }
0xb1: {  	_ =	task [dreg:s7], $0x5FFFF  }
0xb2: {  	[dreg:$0x1] =	wrdreg $0xFFFFFFFF  }
0xb3: {  	[dreg:$0x0] =	wrdreg $0x60  }
0xb4: {  	[dreg:$0x2] =	wrdreg s16  }
0xb5: {  	[dreg:$0x3] =	wrdreg s24  }
0xb6: {  	[dreg:$0x4] =	wrdreg $0x27800  }
0xb7: {  	[dreg:$0x5] =	wrdreg $0x27A00  }
0xb8: {  	[dreg:$0x6] =	wrdreg $0x9  }
0xb9: {  	_ =	task.clear_ibuf [dreg:s7], $0x7FFFF;
	_ =	strace $0x90000046  }
0xba: {  	s29 =	simm.s32 $0x9;
	_ =	strace $0x80000048  }
0xbb: {  	_ =	swait.ge [sflag:s29], $0x1  }
0xbc: {  	[sflag:s29] =	ssyncadd.s32 $0xFFFFFFFF  }
0xbd: {  	_ =	strace $0x90000048  }
0xbe: {  	_ =	sfence  }
0xbf: {  	s30 =	sld [smem:$0x0];
	_ =	sdelay $0x2  }
0xc0: {  	s31 =	sshll.u32 s1, $0xD;
	s1 =	sshrl.u32 s1, $0x2  }
0xc1: {  	s3 =	sand.u32 $0x4000, s31;
	s1 =	sadd.s32 s1, s30  }
0xc2: {  	s0 =	sor.u32 s3, s0;
	s1 =	sshll.u32 s1, $0x11  }
0xc3: {  	s0 =	sor.u32 s1, s0  }
0xc4: {  	s0 =	sadd.s32 $0x8F2B, s0  }
0xc5: {  	[sflag:s0] =	ssyncadd.remote.s32 $0x1  }
0xc6: {  	_ =	sfence.sel $0xFFFF  }
0xc7: {  	[dreg:$0x0] =	wrdreg $0xFFFFFFFF;
	(pc) =	sbr.abs _section_cstart, $3  }
0xc8: {  	[dreg:$0x1] =	wrdreg $0xFFFFFFFF  }
0xc9: {  	_ =	task.clear_ibuf [dreg:s7], $0x2FFFF;
	_ =	strace $0x9FFFFFFF  }
0xca: {  	(tm) =	ssettm $0x7FFFFFFF  }
0xcb: {  	_ =	shalt  }
tec
execute0_lowered:
.L_overlay_start_1:
0x0: {  	(tag) =	ssettag $0x1  }
0x1: {  	s6 =	rddreg [dreg:$0x0]  }
0x2: {  	s0 =	srdreg.scid;
	s7 =	rddreg [dreg:$0x1]  }
0x3: {  	s13 =	stileid.u32;
	s1 =	rddreg [dreg:$0x2]  }
0x4: {  	s2 =	rddreg [dreg:$0x3];
	s3 =	simm.s32 $0x0;
	s11 =	simm.s32 $0x1  }
0x5: {  	s12 =	simm.s32 $0xC80;
	s14 =	simm.s32 $0xC35;
	s15 =	simm.s32 $0x1900  }
0x6: {  	s17 =	simm.s32 $0x20;
	s18 =	simm.s32 $0x10;
	s4 =	sand.u32 $0x1, s0  }
0x7: {  	s19 =	simm.s32 $0x1C01;
	s21 =	simm.s32 $0x0;
	s5 =	sshll.u32 s4, $0x4  }
0x8: {  	s30 =	sshll.u32 s13, $0x7;
	[smem:$0x7FF] =	sst s3;
	s29 =	sor.u32 s13, s5  }
0x9: {  	p0 =	sne.s32 s13, $0x0;
	s16 =	sshrl.u32 s1, $0x3;
	s0 =	sshrl.u32 s29, $0x3  }
0xa: {  	s20 =	sshrl.u32 s2, $0x3;
	s4 =	ssub.s32 $0x2, s4;
	s8 =	smul.u32 $0x6400, s0  }
0xb: {  	s9 =	sand.u32 $0x380, s30;
	s10 =	sshrl.u32 s4, $0x1;
	s13 =	simm.s32 $0x2580  }
.Ltmp0:
0xc: {  	s10 =	ssub.s32 s4, s10;
	s8 =	sor.u32 s9, s8;
	(pc) =	sbr.rel .LBB2_1-.Ltmp0, $4  }
0xd: {  	s0 =	rddreg [dreg:$0x4];
	_ =	strace $0x80000047;
	s8 =	sshrl.u32 s8, $0x3  }
0xe: {  	s9 =	simm.s32 $0x80;
	s31 =	sadd.s32 s8, s7;
	s7 =	sadd.s32 s5, s7  }
0xf: {  	s4 =	sadd.s32 s6, s8;
	s8 =	smax.u32 s10, $0x1;
	s10 =	simm.s32 $0x400  }
0x10: {  	v0 =	vimm.f32 $1.000000000e+00;
	v1 =	vimm.f32 $0.0e+00;
	s5 =	sadd.s32 $0x1200, s31;
	s6 =	sadd.s32 $0x4400, s7;
	s7 =	sadd.s32 $0x4600, s7  }
.LBB2_5:
0x11: {  	[bflag:$0x0] =	sbarrier.arrive $0xFFFF  }
0x12: {  	[spmem:s1] =	stream.indirect.scatter.add.f32 [tilespmem:s3], [sflag:$0x1], $0x1, s12, s14, $0xb8;
	[tilespmem:$0x27C0] =	vst v63  }
0x13: {  	_ =	swait.ge [sflag:s11], $0xC35  }
0x14: {  	[sflag:s11] =	ssyncset.done $0x0  }
0x15: {  	[sflag:s11] =	ssyncadd.s32 $0xFFFFF3CB  }
0x16: {  	[spmem:s2] =	stream.indirect.scatter.add.f32 [tilespmem:s15], [sflag:$0x1], $0x1, s12, s14, $0xb8;
	[tilespmem:$0x27C0] =	vst v63  }
0x17: {  	_ =	swait.ge [sflag:s11], $0xC35  }
0x18: {  	[sflag:s11] =	ssyncset.done $0x0  }
0x19: {  	[sflag:s11] =	ssyncadd.s32 $0xFFFFF3CB  }
0x1a: {  	[bflag:$0x0] =	sbarrier.arrive $0xFFFF  }
.LBB2_6:
0x1b: {  	s21 =	sadd.s32 $0x1, s21  }
0x1c: {  	p1 =	sne.s32 s21, s8  }
.Ltmp1:
0x1d: {  	_ = 	snop;
	(pc) =	sbr.rel @!p1 .LBB2_7-.Ltmp1, $1  }
0x1e: {  	_ =	sdelay $0x3  }
.LBB2_1:
0x1f: {  	[tilespmem:s3], [sflag:$0x1] =	stream.strided.gather [hbm4b:s4+s9], $0xC80, s10, s9, $0x38;
	[tilespmem:$0x27C0] =	vst v63  }
0x20: {  	_ =	swait.ge [sflag:s11], $0xC80  }
0x21: {  	[sflag:s11] =	ssyncset.done $0x0  }
0x22: {  	[sflag:s11] =	ssyncadd.s32 $0xFFFFF380  }
0x23: {  	[tilespmem:s12], [sflag:$0x1] =	stream.strided.gather [hbm4b:s5+s9], $0xC80, s10, s9, $0x38;
	[tilespmem:$0x27C0] =	vst v63  }
0x24: {  	_ =	swait.ge [sflag:s11], $0xC80  }
0x25: {  	[sflag:s11] =	ssyncset.done $0x0  }
0x26: {  	s23 =	simm.s32 $0x100;
	s22 =	simm.s32 $0x0;
	[sflag:s11] =	ssyncadd.s32 $0xFFFFF380  }
.LBB2_2:
0x27: {  	p1 =	sne.s32 s23, $0x3000;
	[tilespmem:s22+$0x1930] =	vst v0;
	s24 =	smov.u32 s23;
	s23 =	sadd.s32 $0x100, s23  }
.Ltmp2:
0x28: {  	[tilespmem:s22+$0x1920] =	vst v0;
	(pc) =	sbr.rel @p1 .LBB2_2-.Ltmp2, $3  }
0x29: {  	[tilespmem:s22+$0x1900] =	vst v0  }
0x2a: {  	[tilespmem:s22+$0x1910] =	vst v0;
	_ =	sdelay $0x1  }
0x2b: {  	s22 =	sshra.s32 s24, $0x2  }
.Ltmp3:
0x2c: {  	(pc) =	sbr.rel @p0 .LBB2_5-.Ltmp3, $4  }
0x2d: {  	[tilespmem:s22+$0x1930] =	vst v0  }
0x2e: {  	[tilespmem:s22+$0x1920] =	vst v0  }
0x2f: {  	[tilespmem:s22+$0x1900] =	vst v0  }
0x30: {  	[tilespmem:s22+$0x1910] =	vst v0  }
0x31: {  	[tilespmem:$0x2580] =	vst v1  }
0x32: {  	[tilespmem:$0x2590] =	vst v1  }
0x33: {  	[tilespmem:$0x25A0] =	vst v1  }
0x34: {  	[tilespmem:$0x25B0] =	vst v1  }
0x35: {  	[tilespmem:$0x25C0] =	vst v1  }
0x36: {  	[tilespmem:$0x25D0] =	vst v1  }
0x37: {  	[tilespmem:$0x25E0] =	vst v1  }
0x38: {  	[tilespmem:$0x25F0] =	vst v1  }
0x39: {  	[tilespmem:$0x2600] =	vst v1  }
0x3a: {  	[tilespmem:$0x2610] =	vst v1  }
0x3b: {  	[tilespmem:$0x2620] =	vst v1  }
0x3c: {  	[tilespmem:$0x2630] =	vst v1  }
0x3d: {  	[tilespmem:$0x2640] =	vst v1  }
0x3e: {  	[tilespmem:$0x2650] =	vst v1  }
0x3f: {  	[tilespmem:$0x2660] =	vst v1  }
0x40: {  	[tilespmem:$0x2670] =	vst v1  }
0x41: {  	[tilespmem:$0x2680] =	vst v1  }
0x42: {  	[tilespmem:$0x2690] =	vst v1  }
0x43: {  	[tilespmem:$0x26A0] =	vst v1  }
0x44: {  	[tilespmem:$0x26B0] =	vst v1  }
0x45: {  	[tilespmem:$0x26C0] =	vst v1  }
0x46: {  	[tilespmem:$0x26D0] =	vst v1  }
0x47: {  	[tilespmem:$0x26E0] =	vst v1  }
0x48: {  	[tilespmem:$0x26F0] =	vst v1  }
0x49: {  	[tilespmem:$0x2700] =	vst v1  }
0x4a: {  	[tilespmem:$0x2710] =	vst v1  }
0x4b: {  	[tilespmem:$0x2720] =	vst v1  }
0x4c: {  	[tilespmem:$0x2730] =	vst v1  }
0x4d: {  	[tilespmem:$0x2740] =	vst v1  }
0x4e: {  	[tilespmem:$0x2750] =	vst v1  }
0x4f: {  	[tilespmem:$0x2760] =	vst v1  }
0x50: {  	[tilespmem:$0x2770] =	vst v1  }
0x51: {  	[spmem:s1] =	stream.linear.scatter [tilespmem:s13], [sflag:$0x1], $0x200, $0x38;
	[tilespmem:$0x27C0] =	vst v63  }
0x52: {  	_ =	swait.ge [sflag:s11], $0x200  }
0x53: {  	[sflag:s11] =	ssyncset.done $0x0  }
0x54: {  	[sflag:s11] =	ssyncadd.s32 $0xFFFFFE00  }
0x55: {  	[spmem:s2] =	stream.linear.scatter [tilespmem:s13], [sflag:$0x1], $0x200, $0x38;
	[tilespmem:$0x27C0] =	vst v63  }
0x56: {  	_ =	swait.ge [sflag:s11], $0x200  }
0x57: {  	[sflag:s11] =	ssyncset.done $0x0  }
0x58: {  	[sflag:s11] =	ssyncadd.s32 $0xFFFFFE00  }
0x59: {  	[bflag:$0x0] =	sbarrier.arrive $0xFFFF  }
0x5a: {  	[spmem:s1] =	stream.indirect.scatter.add.f32 [tilespmem:s3], [sflag:$0x1], $0x1, s12, s14, $0xb8;
	[tilespmem:$0x27C0] =	vst v63  }
0x5b: {  	_ =	swait.ge [sflag:s11], $0xC35  }
0x5c: {  	[sflag:s11] =	ssyncset.done $0x0  }
0x5d: {  	[sflag:s11] =	ssyncadd.s32 $0xFFFFF3CB  }
0x5e: {  	[spmem:s2] =	stream.indirect.scatter.add.f32 [tilespmem:s15], [sflag:$0x1], $0x1, s12, s14, $0xb8;
	[tilespmem:$0x27C0] =	vst v63  }
0x5f: {  	_ =	swait.ge [sflag:s11], $0xC35  }
0x60: {  	[sflag:s11] =	ssyncset.done $0x0  }
0x61: {  	[sflag:s11] =	ssyncadd.s32 $0xFFFFF3CB  }
0x62: {  	[bflag:$0x0] =	sbarrier.arrive $0xFFFF  }
0x63: {  	[hbm:s6@s17], [sflag:s19] =	dma.strided [spmem:s16@s18], $0x40, s11, $0x10   }
0x64: {  	_ =	swait.ge [sflag:s11], $0x40  }
0x65: {  	[sflag:s11] =	ssyncset.done $0x0  }
.Ltmp4:
0x66: {  	[sflag:s11] =	ssyncadd.s32 $0xFFFFFFC0;
	(pc) =	sbr.rel .LBB2_6-.Ltmp4, $4  }
0x67: {  	[hbm:s7@s17], [sflag:s19] =	dma.strided [spmem:s20@s18], $0x40, s11, $0x10   }
0x68: {  	_ =	swait.ge [sflag:s11], $0x40  }
0x69: {  	[sflag:s11] =	ssyncset.done $0x0  }
0x6a: {  	[sflag:s11] =	ssyncadd.s32 $0xFFFFFFC0  }
.LBB2_7:
0x6b: {  	_ =	sfence.sel $0x180000  }
0x6c: {  	[bflag:$0x0] =	sbarrier.arrive $0xFFFF  }
0x6d: {  	_ =	strace $0x90000047  }
0x6e: {  	s0 =	sadd.s32 @!p0 $0x100000, s0;
	[bflag:$0x2] =	sbarrier.arrive $0xFFFF  }
0x6f: {  	[sflag:s0] =	ssyncadd.tile.s32 @!p0 $0x1;
	_ =	shalt  }
.Lfunc_end2:
_tile_overlayer_lowered:
.L_overlay_start_2:
0x70: {  	(tag) =	ssettag $0x2  }
0x71: {  	s0 =	rddreg [dreg:$0x0];
	s2 =	stileid.u32  }
0x72: {  	s1 =	rddreg [dreg:$0x1];
	p0 =	sne.s32 s2, $0x0  }
0x73: {  	s3 =	rddreg [dreg:$0x2];
	[bflag:$0x3] =	sbarrier.arrive $0xFFFF;
	s2 =	simm.s32 @!p0 $0x1C01  }
0x74: {  	[timem:s3], [sflag:s2] =	dma.local @!p0 [hbm:s0], s1  }
0x75: {  	s0 =	simm.s32 @!p0 $0x1  }
0x76: {  	_ =	swait.ge @!p0 [sflag:s0], s1  }
0x77: {  	s1 =	ssub.s32 @!p0 $0x0, s1;
	[sflag:s0] =	ssyncset.done @!p0 $0x0  }
0x78: {  	[sflag:s0] =	ssyncadd.s32 @!p0 s1  }
0x79: {  	[bflag:$0x3] =	sbarrier.arrive $0xFFFF  }
0x7a: {  	_ =	shalt  }

</sc_bundles>
